<compile_context>
chip_gen: v7x
topology: tpu7x:2x2x1
jax: 0.10.2.dev20260603
libtpu: 0.0.44.dev20260713+nightly
codegen_flags: <defaults>
</compile_context>

<pallas_src>
import functools

import jax
import jax.numpy as jnp
from jax import lax
from jax.experimental import pallas as pl
from jax.experimental.pallas import tpu as pltpu
from jax.experimental.pallas import tpu_sc as plsc

VOCAB = 100000
D = 128
B = 16384
EPS = 1e-06
INV_EPS = 1.0 / EPS

NC = 2
NS = 16
NW = NC * NS
ROWS = 2 * B
R_PER_W = ROWS // NW
P_PER_W = R_PER_W // 2
CHUNK = 128
CHUNKS = R_PER_W // CHUNK
NBUF = 3
L = 16
PAIR_UNROLL = 4


def _rsqrt16(x):
    i = plsc.bitcast(x, jnp.int32)
    i = jnp.int32(0x5F3759DF) - lax.shift_right_arithmetic(i, 1)
    y = plsc.bitcast(i, jnp.float32)
    for _ in range(3):
        y = y * (1.5 - 0.5 * x * y * y)
    return y


def _sc_body(
    idx_hbm, table_hbm, out_hbm, idx2_v, idx_v, buf0, buf1, buf2,
    tot_v, res_v, sem0, sem1, sem2
):
    wid = lax.axis_index("s") * NC + lax.axis_index("c")
    lane0 = lax.iota(jnp.int32, L)
    pltpu.sync_copy(idx_hbm.at[pl.ds(wid * P_PER_W, P_PER_W)], idx2_v)

    def flatten_step(t, _):
        for u in range(4):
            f = 64 * t + 16 * u + lane0
            v = plsc.load_gather(idx2_v, [lax.shift_right_logical(f, 1), f & 1])
            idx_v[pl.ds(64 * t + 16 * u, L)] = v
        return 0

    lax.fori_loop(0, R_PER_W // (4 * L), flatten_step, 0)
    bufs = (buf0, buf1, buf2)
    sems = (sem0, sem1, sem2)
    lane15 = lane0 == (L - 1)

    cps = [None] * NBUF
    for c in range(NBUF - 1):
        cps[c] = pltpu.async_copy(
            table_hbm.at[idx_v.at[pl.ds(c * CHUNK, CHUNK)]], bufs[c], sems[c]
        )
    for c in range(CHUNKS):
        b = c % NBUF
        nxt = c + NBUF - 1
        if nxt < CHUNKS:
            nb = nxt % NBUF
            cps[nb] = pltpu.async_copy(
                table_hbm.at[idx_v.at[pl.ds(nxt * CHUNK, CHUNK)]],
                bufs[nb],
                sems[nb],
            )
        cps[b].wait()
        buf = bufs[b]

        def g16_body(g, _, buf=buf, c=c):
            def pair_body(q, _):
                for u in range(PAIR_UNROLL):
                    p16 = PAIR_UNROLL * q + u
                    row = 2 * (L * g + p16)
                    d0 = d1 = i0 = i1 = j0 = j1 = None
                    for k in range(D // L):
                        a = buf[row, pl.ds(L * k, L)]
                        bb = buf[row + 1, pl.ds(L * k, L)]
                        if k == 0:
                            d0, i0, j0 = a * bb, a * a, bb * bb
                        elif k == 1:
                            d1, i1, j1 = a * bb, a * a, bb * bb
                        elif k % 2 == 0:
                            d0, i0, j0 = d0 + a * bb, i0 + a * a, j0 + bb * bb
                        else:
                            d1, i1, j1 = d1 + a * bb, i1 + a * a, j1 + bb * bb
                    dcum = plsc.cumsum(d0 + d1)
                    icum = plsc.cumsum(i0 + i1)
                    jcum = plsc.cumsum(j0 + j1)
                    plsc.store_scatter(
                        tot_v, [jnp.broadcast_to(p16, (L,))], dcum, mask=lane15
                    )
                    plsc.store_scatter(
                        tot_v, [jnp.broadcast_to(p16 + L, (L,))], icum, mask=lane15
                    )
                    plsc.store_scatter(
                        tot_v, [jnp.broadcast_to(p16 + 2 * L, (L,))], jcum, mask=lane15
                    )
                return 0

            lax.fori_loop(0, L // PAIR_UNROLL, pair_body, 0)
            dot16 = tot_v[pl.ds(0, L)]
            ri = jnp.minimum(_rsqrt16(tot_v[pl.ds(L, L)]), INV_EPS)
            rj = jnp.minimum(_rsqrt16(tot_v[pl.ds(2 * L, L)]), INV_EPS)
            res_v[pl.ds(c * (CHUNK // 2) + L * g, L)] = dot16 * ri * rj
            return 0

        if True:
            res_v[pl.ds(c * (CHUNK // 2), L)] = buf[0, pl.ds(0, L)]
        else:
            lax.fori_loop(0, CHUNK // 2 // L, g16_body, 0)
    pltpu.sync_copy(res_v, out_hbm.at[pl.ds(wid * P_PER_W, P_PER_W)])


@functools.cache
def _get_sc_kernel():
    return pl.kernel(
        _sc_body,
        out_type=jax.ShapeDtypeStruct((B,), jnp.float32),
        mesh=plsc.VectorSubcoreMesh(
            core_axis_name="c", subcore_axis_name="s", num_cores=NC, num_subcores=NS
        ),
        scratch_types=[
            pltpu.VMEM((P_PER_W, 2), jnp.int32),
            pltpu.VMEM((R_PER_W,), jnp.int32),
            pltpu.VMEM((CHUNK, D), jnp.float32),
            pltpu.VMEM((CHUNK, D), jnp.float32),
            pltpu.VMEM((CHUNK, D), jnp.float32),
            pltpu.VMEM((3 * L,), jnp.float32),
            pltpu.VMEM((P_PER_W,), jnp.float32),
            pltpu.SemaphoreType.DMA,
            pltpu.SemaphoreType.DMA,
            pltpu.SemaphoreType.DMA,
        ],
        compiler_params=pltpu.CompilerParams(needs_layout_passes=False),
    )


def kernel(pairs_wid, emb):
    return _get_sc_kernel()(pairs_wid.astype(jnp.int32), emb)

# --- scband reference (transcript-rebuilt; emitter-appended) ---
"""Pipeline reference for scband-emb-corr-tkt-42915313222220 (READ-ONLY COPY).

The authoritative reference and input builder live on the scoring server;
editing this copy changes nothing except your own understanding.
"""

import jax, jax.numpy as jnp
import numpy as np

VOCAB = 100000
EMB_DIM = 128
BATCH = 16384
EPS = 1e-06


def setup_inputs(seed: int = 0) -> dict:
    key = jax.random.key(seed)
    k1, k2 = jax.random.split(key)
    pairs_wid = jax.random.randint(k1, (BATCH, 2), 0, VOCAB, dtype=jnp.int64)
    emb = jax.random.normal(k2, (VOCAB, EMB_DIM), dtype=jnp.float32)
    return {"pairs_wid": pairs_wid, "emb": emb}


def reference(pairs_wid, emb):
    # embedding lookup: [B, 2, D]
    pairs_vector = jnp.take(emb, pairs_wid, axis=0)
    wi = pairs_vector[:, 0, :]
    wj = pairs_vector[:, 1, :]
    # CosineSimilarity(dim=1, eps=1e-6): clamp each norm by eps
    ni = jnp.maximum(jnp.linalg.norm(wi, axis=1), EPS)
    nj = jnp.maximum(jnp.linalg.norm(wj, axis=1), EPS)
    dist = jnp.sum(wi * wj, axis=1) / (ni * nj)
    return dist

if __name__ == "__main__":
    import jax
    _d = setup_inputs()
    print(jax.jit(kernel)(*tuple(_d.values())))

</pallas_src>

<mosaic_0001>
#map = affine_map<(d0, d1) -> (0, 0)>
#map1 = affine_map<(d0, d1) -> (0)>
module attributes {stable_mosaic.version = 14 : i64} {
  func.func @_sc_body(%arg0: i32, %arg1: i32, %arg2: memref<16384x2xi32, #tpu.memory_space<hbm>>, %arg3: memref<100000x128xf32, #tpu.memory_space<hbm>>, %arg4: memref<16384xf32, #tpu.memory_space<hbm>>, %arg5: memref<512x2xi32, #tpu.memory_space<vmem>>, %arg6: memref<1024xi32, #tpu.memory_space<vmem>>, %arg7: memref<128x128xf32, #tpu.memory_space<vmem>>, %arg8: memref<128x128xf32, #tpu.memory_space<vmem>>, %arg9: memref<128x128xf32, #tpu.memory_space<vmem>>, %arg10: memref<48xf32, #tpu.memory_space<vmem>>, %arg11: memref<512xf32, #tpu.memory_space<vmem>>, %arg12: memref<!tpu.dma_semaphore, #tpu.memory_space<semaphore_mem>>, %arg13: memref<!tpu.dma_semaphore, #tpu.memory_space<semaphore_mem>>, %arg14: memref<!tpu.dma_semaphore, #tpu.memory_space<semaphore_mem>>) attributes {dimension_semantics = [#tpu.dimension_semantics<core_parallel>, #tpu.dimension_semantics<subcore_parallel>], iteration_bounds = array<i64: 2, 16>, scalar_prefetch = 0 : i64, scratch_operands = 10 : i64, tpu.core_type = #tpu.core_type<sc_vector_subcore>, window_params = [{transform_indices = #map}, {transform_indices = #map}, {transform_indices = #map1}]} {
    %mul3A = arith.constant 2 : i32
    %mul3A_0 = arith.muli %arg1, %mul3A : i32
    %add3A = arith.addi %mul3A_0, %arg0 : i32
    %iota3A = tpu.iota {dimensions = array<i32: 0>} : vector<16xi32>
    %mul3A_1 = arith.constant 512 : i32
    %mul3A_2 = arith.muli %add3A, %mul3A_1 : i32
    "tpu.region"() ({
      %run_scoped3A = tpu.sem_alloc : memref<!tpu.dma_semaphore, #tpu.memory_space<semaphore_mem>>
      %dma_start3A_137 = arith.constant 0 : i32
      %dma_start3A_138 = tpu.memref_slice %arg2[%mul3A_2, %dma_start3A_137] : memref<16384x2xi32, #tpu.memory_space<hbm>> -> memref<512x2xi32, #tpu.memory_space<hbm>>
      %dma_start3A_139 = arith.constant 0 : i32
      %dma_start3A_140 = tpu.memref_slice %arg2[%mul3A_2, %dma_start3A_139] : memref<16384x2xi32, #tpu.memory_space<hbm>> -> memref<512x2xi32, #tpu.memory_space<hbm>>
      tpu.enqueue_dma source(%dma_start3A_140 : memref<512x2xi32, #tpu.memory_space<hbm>>) target(%arg5 : memref<512x2xi32, #tpu.memory_space<vmem>>) target_semaphore(%run_scoped3A : memref<!tpu.dma_semaphore, #tpu.memory_space<semaphore_mem>>)
      %dma_wait3A_141 = arith.constant 0 : i32
      %dma_wait3A_142 = tpu.memref_slice %arg2[%mul3A_2, %dma_wait3A_141] : memref<16384x2xi32, #tpu.memory_space<hbm>> -> memref<512x2xi32, #tpu.memory_space<hbm>>
      %dma_wait3A_143 = arith.constant 0 : i32
      %dma_wait3A_144 = tpu.memref_slice %arg2[%mul3A_2, %dma_wait3A_143] : memref<16384x2xi32, #tpu.memory_space<hbm>> -> memref<512x2xi32, #tpu.memory_space<hbm>>
      tpu.wait_dma2 semaphore(%run_scoped3A : memref<!tpu.dma_semaphore, #tpu.memory_space<semaphore_mem>>) src(%dma_wait3A_144 : memref<512x2xi32, #tpu.memory_space<hbm>>) dst(%arg5 : memref<512x2xi32, #tpu.memory_space<vmem>>)
      tpu.yield
    }) : () -> ()
    %scan3A = arith.constant 0 : i32
    %scan3A_3 = arith.constant 0 : i32
    %scan3A_4 = arith.constant 16 : i32
    %scan3A_5 = arith.addi %scan3A_3, %scan3A_4 : i32
    %scan3A_6 = arith.constant 1 : i32
    %scan3A_7 = scf.for %scan3A_137 = %scan3A_3 to %scan3A_5 step %scan3A_6 iter_args(%scan3A_138 = %scan3A) -> (i32)  : i32 {
      %mul3A_139 = arith.constant 64 : i32
      %mul3A_140 = arith.muli %mul3A_139, %scan3A_137 : i32
      %add3A_141 = arith.constant 0 : i32
      %add3A_142 = arith.addi %mul3A_140, %add3A_141 : i32
      %add3A_143 = vector.broadcast %add3A_142 : i32 to vector<16xi32>
      %add3A_144 = arith.addi %add3A_143, %iota3A : vector<16xi32>
      %shift_right_logical3A = arith.constant 1 : i32
      %shift_right_logical3A_145 = vector.broadcast %shift_right_logical3A : i32 to vector<16xi32>
      %shift_right_logical3A_146 = arith.shrui %add3A_144, %shift_right_logical3A_145 : vector<16xi32>
      %and3A = arith.constant 1 : i32
      %and3A_147 = vector.broadcast %and3A : i32 to vector<16xi32>
      %and3A_148 = arith.andi %add3A_144, %and3A_147 : vector<16xi32>
      %gather3A = tpu.vector_load_idx %arg5[%shift_right_logical3A_146, %and3A_148] : memref<512x2xi32, #tpu.memory_space<vmem>>[vector<16xi32>, vector<16xi32>], vector<16xi32>,
      %mul3A_149 = arith.constant 64 : i32
      %mul3A_150 = arith.muli %mul3A_149, %scan3A_137 : i32
      %add3A_151 = arith.constant 0 : i32
      %add3A_152 = arith.addi %mul3A_150, %add3A_151 : i32
      %swap3A_153 = arith.index_cast %add3A_152 : i32 to index
      %swap3A_154 = tpu.vector_load %arg6[%swap3A_153] {strides = array<i32>} : memref<1024xi32, #tpu.memory_space<vmem>>, vector<16xi32>,
      tpu.vector_store %arg6[%swap3A_153], %gather3A {strides = array<i32>} : memref<1024xi32, #tpu.memory_space<vmem>>, vector<16xi32>,
      %mul3A_155 = arith.constant 64 : i32
      %mul3A_156 = arith.muli %mul3A_155, %scan3A_137 : i32
      %add3A_157 = arith.constant 16 : i32
      %add3A_158 = arith.addi %mul3A_156, %add3A_157 : i32
      %add3A_159 = vector.broadcast %add3A_158 : i32 to vector<16xi32>
      %add3A_160 = arith.addi %add3A_159, %iota3A : vector<16xi32>
      %shift_right_logical3A_161 = arith.constant 1 : i32
      %shift_right_logical3A_162 = vector.broadcast %shift_right_logical3A_161 : i32 to vector<16xi32>
      %shift_right_logical3A_163 = arith.shrui %add3A_160, %shift_right_logical3A_162 : vector<16xi32>
      %and3A_164 = arith.constant 1 : i32
      %and3A_165 = vector.broadcast %and3A_164 : i32 to vector<16xi32>
      %and3A_166 = arith.andi %add3A_160, %and3A_165 : vector<16xi32>
      %gather3A_167 = tpu.vector_load_idx %arg5[%shift_right_logical3A_163, %and3A_166] : memref<512x2xi32, #tpu.memory_space<vmem>>[vector<16xi32>, vector<16xi32>], vector<16xi32>,
      %mul3A_168 = arith.constant 64 : i32
      %mul3A_169 = arith.muli %mul3A_168, %scan3A_137 : i32
      %add3A_170 = arith.constant 16 : i32
      %add3A_171 = arith.addi %mul3A_169, %add3A_170 : i32
      %swap3A_172 = arith.index_cast %add3A_171 : i32 to index
      %swap3A_173 = tpu.vector_load %arg6[%swap3A_172] {strides = array<i32>} : memref<1024xi32, #tpu.memory_space<vmem>>, vector<16xi32>,
      tpu.vector_store %arg6[%swap3A_172], %gather3A_167 {strides = array<i32>} : memref<1024xi32, #tpu.memory_space<vmem>>, vector<16xi32>,
      %mul3A_174 = arith.constant 64 : i32
      %mul3A_175 = arith.muli %mul3A_174, %scan3A_137 : i32
      %add3A_176 = arith.constant 32 : i32
      %add3A_177 = arith.addi %mul3A_175, %add3A_176 : i32
      %add3A_178 = vector.broadcast %add3A_177 : i32 to vector<16xi32>
      %add3A_179 = arith.addi %add3A_178, %iota3A : vector<16xi32>
      %shift_right_logical3A_180 = arith.constant 1 : i32
      %shift_right_logical3A_181 = vector.broadcast %shift_right_logical3A_180 : i32 to vector<16xi32>
      %shift_right_logical3A_182 = arith.shrui %add3A_179, %shift_right_logical3A_181 : vector<16xi32>
      %and3A_183 = arith.constant 1 : i32
      %and3A_184 = vector.broadcast %and3A_183 : i32 to vector<16xi32>
      %and3A_185 = arith.andi %add3A_179, %and3A_184 : vector<16xi32>
      %gather3A_186 = tpu.vector_load_idx %arg5[%shift_right_logical3A_182, %and3A_185] : memref<512x2xi32, #tpu.memory_space<vmem>>[vector<16xi32>, vector<16xi32>], vector<16xi32>,
      %mul3A_187 = arith.constant 64 : i32
      %mul3A_188 = arith.muli %mul3A_187, %scan3A_137 : i32
      %add3A_189 = arith.constant 32 : i32
      %add3A_190 = arith.addi %mul3A_188, %add3A_189 : i32
      %swap3A_191 = arith.index_cast %add3A_190 : i32 to index
      %swap3A_192 = tpu.vector_load %arg6[%swap3A_191] {strides = array<i32>} : memref<1024xi32, #tpu.memory_space<vmem>>, vector<16xi32>,
      tpu.vector_store %arg6[%swap3A_191], %gather3A_186 {strides = array<i32>} : memref<1024xi32, #tpu.memory_space<vmem>>, vector<16xi32>,
      %mul3A_193 = arith.constant 64 : i32
      %mul3A_194 = arith.muli %mul3A_193, %scan3A_137 : i32
      %add3A_195 = arith.constant 48 : i32
      %add3A_196 = arith.addi %mul3A_194, %add3A_195 : i32
      %add3A_197 = vector.broadcast %add3A_196 : i32 to vector<16xi32>
      %add3A_198 = arith.addi %add3A_197, %iota3A : vector<16xi32>
      %shift_right_logical3A_199 = arith.constant 1 : i32
      %shift_right_logical3A_200 = vector.broadcast %shift_right_logical3A_199 : i32 to vector<16xi32>
      %shift_right_logical3A_201 = arith.shrui %add3A_198, %shift_right_logical3A_200 : vector<16xi32>
      %and3A_202 = arith.constant 1 : i32
      %and3A_203 = vector.broadcast %and3A_202 : i32 to vector<16xi32>
      %and3A_204 = arith.andi %add3A_198, %and3A_203 : vector<16xi32>
      %gather3A_205 = tpu.vector_load_idx %arg5[%shift_right_logical3A_201, %and3A_204] : memref<512x2xi32, #tpu.memory_space<vmem>>[vector<16xi32>, vector<16xi32>], vector<16xi32>,
      %mul3A_206 = arith.constant 64 : i32
      %mul3A_207 = arith.muli %mul3A_206, %scan3A_137 : i32
      %add3A_208 = arith.constant 48 : i32
      %add3A_209 = arith.addi %mul3A_207, %add3A_208 : i32
      %swap3A_210 = arith.index_cast %add3A_209 : i32 to index
      %swap3A_211 = tpu.vector_load %arg6[%swap3A_210] {strides = array<i32>} : memref<1024xi32, #tpu.memory_space<vmem>>, vector<16xi32>,
      tpu.vector_store %arg6[%swap3A_210], %gather3A_205 {strides = array<i32>} : memref<1024xi32, #tpu.memory_space<vmem>>, vector<16xi32>,
      %scan3A_212 = arith.constant 0 : i32
      scf.yield %scan3A_212 : i32
    }
    %scan3A_8 = arith.constant 16 : i32
    %eq3A = arith.constant 15 : i32
    %eq3A_9 = vector.broadcast %eq3A : i32 to vector<16xi32>
    %eq3A_10 = arith.cmpi eq, %iota3A, %eq3A_9 : vector<16xi32>
    %dma_start3A = arith.constant 0 : i32
    %dma_start3A_11 = tpu.memref_slice %arg6[%dma_start3A] : memref<1024xi32, #tpu.memory_space<vmem>> -> memref<128xi32, #tpu.memory_space<vmem>>
    %dma_start3A_12 = arith.constant 0 : i32
    %dma_start3A_13 = arith.constant 0 : i32
    %dma_start3A_14 = tpu.memref_slice %arg3[%dma_start3A_12, %dma_start3A_13] : memref<100000x128xf32, #tpu.memory_space<hbm>> -> memref<100000x128xf32, #tpu.memory_space<hbm>>
    tpu.enqueue_indirect_dma source(%dma_start3A_14 : memref<100000x128xf32, #tpu.memory_space<hbm>>) target(%arg7 : memref<128x128xf32, #tpu.memory_space<vmem>>) offsets(%dma_start3A_11 : memref<128xi32, #tpu.memory_space<vmem>>) semaphore(%arg12 : memref<!tpu.dma_semaphore, #tpu.memory_space<semaphore_mem>>)
    %dma_start3A_15 = arith.constant 128 : i32
    %dma_start3A_16 = tpu.memref_slice %arg6[%dma_start3A_15] : memref<1024xi32, #tpu.memory_space<vmem>> -> memref<128xi32, #tpu.memory_space<vmem>>
    %dma_start3A_17 = arith.constant 0 : i32
    %dma_start3A_18 = arith.constant 0 : i32
    %dma_start3A_19 = tpu.memref_slice %arg3[%dma_start3A_17, %dma_start3A_18] : memref<100000x128xf32, #tpu.memory_space<hbm>> -> memref<100000x128xf32, #tpu.memory_space<hbm>>
    tpu.enqueue_indirect_dma source(%dma_start3A_19 : memref<100000x128xf32, #tpu.memory_space<hbm>>) target(%arg8 : memref<128x128xf32, #tpu.memory_space<vmem>>) offsets(%dma_start3A_16 : memref<128xi32, #tpu.memory_space<vmem>>) semaphore(%arg13 : memref<!tpu.dma_semaphore, #tpu.memory_space<semaphore_mem>>)
    %dma_start3A_20 = arith.constant 256 : i32
    %dma_start3A_21 = tpu.memref_slice %arg6[%dma_start3A_20] : memref<1024xi32, #tpu.memory_space<vmem>> -> memref<128xi32, #tpu.memory_space<vmem>>
    %dma_start3A_22 = arith.constant 0 : i32
    %dma_start3A_23 = arith.constant 0 : i32
    %dma_start3A_24 = tpu.memref_slice %arg3[%dma_start3A_22, %dma_start3A_23] : memref<100000x128xf32, #tpu.memory_space<hbm>> -> memref<100000x128xf32, #tpu.memory_space<hbm>>
    tpu.enqueue_indirect_dma source(%dma_start3A_24 : memref<100000x128xf32, #tpu.memory_space<hbm>>) target(%arg9 : memref<128x128xf32, #tpu.memory_space<vmem>>) offsets(%dma_start3A_21 : memref<128xi32, #tpu.memory_space<vmem>>) semaphore(%arg14 : memref<!tpu.dma_semaphore, #tpu.memory_space<semaphore_mem>>)
    %dma_wait3A = arith.constant 0 : i32
    %dma_wait3A_25 = tpu.memref_slice %arg6[%dma_wait3A] : memref<1024xi32, #tpu.memory_space<vmem>> -> memref<128xi32, #tpu.memory_space<vmem>>
    %dma_wait3A_26 = arith.constant 0 : i32
    %dma_wait3A_27 = arith.constant 0 : i32
    %dma_wait3A_28 = tpu.memref_slice %arg3[%dma_wait3A_26, %dma_wait3A_27] : memref<100000x128xf32, #tpu.memory_space<hbm>> -> memref<100000x128xf32, #tpu.memory_space<hbm>>
    tpu.wait_indirect_dma semaphore(%arg12 : memref<!tpu.dma_semaphore, #tpu.memory_space<semaphore_mem>>) src(%dma_wait3A_28 : memref<100000x128xf32, #tpu.memory_space<hbm>>) dst(%arg7 : memref<128x128xf32, #tpu.memory_space<vmem>>)
    %get3A = arith.constant 0 : i32
    %get3A_29 = arith.index_cast %get3A : i32 to index
    %get3A_30 = arith.constant 0 : index
    %get3A_31 = tpu.vector_load %arg7[%get3A_29, %get3A_30] {strides = array<i32>} : memref<128x128xf32, #tpu.memory_space<vmem>>, vector<16xf32>,
    %swap3A = arith.constant 0 : index
    %swap3A_32 = tpu.vector_load %arg11[%swap3A] {strides = array<i32>} : memref<512xf32, #tpu.memory_space<vmem>>, vector<16xf32>,
    tpu.vector_store %arg11[%swap3A], %get3A_31 {strides = array<i32>} : memref<512xf32, #tpu.memory_space<vmem>>, vector<16xf32>,
    %dma_start3A_33 = arith.constant 384 : i32
    %dma_start3A_34 = tpu.memref_slice %arg6[%dma_start3A_33] : memref<1024xi32, #tpu.memory_space<vmem>> -> memref<128xi32, #tpu.memory_space<vmem>>
    %dma_start3A_35 = arith.constant 0 : i32
    %dma_start3A_36 = arith.constant 0 : i32
    %dma_start3A_37 = tpu.memref_slice %arg3[%dma_start3A_35, %dma_start3A_36] : memref<100000x128xf32, #tpu.memory_space<hbm>> -> memref<100000x128xf32, #tpu.memory_space<hbm>>
    tpu.enqueue_indirect_dma source(%dma_start3A_37 : memref<100000x128xf32, #tpu.memory_space<hbm>>) target(%arg7 : memref<128x128xf32, #tpu.memory_space<vmem>>) offsets(%dma_start3A_34 : memref<128xi32, #tpu.memory_space<vmem>>) semaphore(%arg12 : memref<!tpu.dma_semaphore, #tpu.memory_space<semaphore_mem>>)
    %dma_wait3A_38 = arith.constant 128 : i32
    %dma_wait3A_39 = tpu.memref_slice %arg6[%dma_wait3A_38] : memref<1024xi32, #tpu.memory_space<vmem>> -> memref<128xi32, #tpu.memory_space<vmem>>
    %dma_wait3A_40 = arith.constant 0 : i32
    %dma_wait3A_41 = arith.constant 0 : i32
    %dma_wait3A_42 = tpu.memref_slice %arg3[%dma_wait3A_40, %dma_wait3A_41] : memref<100000x128xf32, #tpu.memory_space<hbm>> -> memref<100000x128xf32, #tpu.memory_space<hbm>>
    tpu.wait_indirect_dma semaphore(%arg13 : memref<!tpu.dma_semaphore, #tpu.memory_space<semaphore_mem>>) src(%dma_wait3A_42 : memref<100000x128xf32, #tpu.memory_space<hbm>>) dst(%arg8 : memref<128x128xf32, #tpu.memory_space<vmem>>)
    %get3A_43 = arith.constant 0 : i32
    %get3A_44 = arith.index_cast %get3A_43 : i32 to index
    %get3A_45 = arith.constant 0 : index
    %get3A_46 = tpu.vector_load %arg8[%get3A_44, %get3A_45] {strides = array<i32>} : memref<128x128xf32, #tpu.memory_space<vmem>>, vector<16xf32>,
    %swap3A_47 = arith.constant 64 : index
    %swap3A_48 = tpu.vector_load %arg11[%swap3A_47] {strides = array<i32>} : memref<512xf32, #tpu.memory_space<vmem>>, vector<16xf32>,
    tpu.vector_store %arg11[%swap3A_47], %get3A_46 {strides = array<i32>} : memref<512xf32, #tpu.memory_space<vmem>>, vector<16xf32>,
    %dma_start3A_49 = arith.constant 512 : i32
    %dma_start3A_50 = tpu.memref_slice %arg6[%dma_start3A_49] : memref<1024xi32, #tpu.memory_space<vmem>> -> memref<128xi32, #tpu.memory_space<vmem>>
    %dma_start3A_51 = arith.constant 0 : i32
    %dma_start3A_52 = arith.constant 0 : i32
    %dma_start3A_53 = tpu.memref_slice %arg3[%dma_start3A_51, %dma_start3A_52] : memref<100000x128xf32, #tpu.memory_space<hbm>> -> memref<100000x128xf32, #tpu.memory_space<hbm>>
    tpu.enqueue_indirect_dma source(%dma_start3A_53 : memref<100000x128xf32, #tpu.memory_space<hbm>>) target(%arg8 : memref<128x128xf32, #tpu.memory_space<vmem>>) offsets(%dma_start3A_50 : memref<128xi32, #tpu.memory_space<vmem>>) semaphore(%arg13 : memref<!tpu.dma_semaphore, #tpu.memory_space<semaphore_mem>>)
    %dma_wait3A_54 = arith.constant 256 : i32
    %dma_wait3A_55 = tpu.memref_slice %arg6[%dma_wait3A_54] : memref<1024xi32, #tpu.memory_space<vmem>> -> memref<128xi32, #tpu.memory_space<vmem>>
    %dma_wait3A_56 = arith.constant 0 : i32
    %dma_wait3A_57 = arith.constant 0 : i32
    %dma_wait3A_58 = tpu.memref_slice %arg3[%dma_wait3A_56, %dma_wait3A_57] : memref<100000x128xf32, #tpu.memory_space<hbm>> -> memref<100000x128xf32, #tpu.memory_space<hbm>>
    tpu.wait_indirect_dma semaphore(%arg14 : memref<!tpu.dma_semaphore, #tpu.memory_space<semaphore_mem>>) src(%dma_wait3A_58 : memref<100000x128xf32, #tpu.memory_space<hbm>>) dst(%arg9 : memref<128x128xf32, #tpu.memory_space<vmem>>)
    %get3A_59 = arith.constant 0 : i32
    %get3A_60 = arith.index_cast %get3A_59 : i32 to index
    %get3A_61 = arith.constant 0 : index
    %get3A_62 = tpu.vector_load %arg9[%get3A_60, %get3A_61] {strides = array<i32>} : memref<128x128xf32, #tpu.memory_space<vmem>>, vector<16xf32>,
    %swap3A_63 = arith.constant 128 : index
    %swap3A_64 = tpu.vector_load %arg11[%swap3A_63] {strides = array<i32>} : memref<512xf32, #tpu.memory_space<vmem>>, vector<16xf32>,
    tpu.vector_store %arg11[%swap3A_63], %get3A_62 {strides = array<i32>} : memref<512xf32, #tpu.memory_space<vmem>>, vector<16xf32>,
    %dma_start3A_65 = arith.constant 640 : i32
    %dma_start3A_66 = tpu.memref_slice %arg6[%dma_start3A_65] : memref<1024xi32, #tpu.memory_space<vmem>> -> memref<128xi32, #tpu.memory_space<vmem>>
    %dma_start3A_67 = arith.constant 0 : i32
    %dma_start3A_68 = arith.constant 0 : i32
    %dma_start3A_69 = tpu.memref_slice %arg3[%dma_start3A_67, %dma_start3A_68] : memref<100000x128xf32, #tpu.memory_space<hbm>> -> memref<100000x128xf32, #tpu.memory_space<hbm>>
    tpu.enqueue_indirect_dma source(%dma_start3A_69 : memref<100000x128xf32, #tpu.memory_space<hbm>>) target(%arg9 : memref<128x128xf32, #tpu.memory_space<vmem>>) offsets(%dma_start3A_66 : memref<128xi32, #tpu.memory_space<vmem>>) semaphore(%arg14 : memref<!tpu.dma_semaphore, #tpu.memory_space<semaphore_mem>>)
    %dma_wait3A_70 = arith.constant 384 : i32
    %dma_wait3A_71 = tpu.memref_slice %arg6[%dma_wait3A_70] : memref<1024xi32, #tpu.memory_space<vmem>> -> memref<128xi32, #tpu.memory_space<vmem>>
    %dma_wait3A_72 = arith.constant 0 : i32
    %dma_wait3A_73 = arith.constant 0 : i32
    %dma_wait3A_74 = tpu.memref_slice %arg3[%dma_wait3A_72, %dma_wait3A_73] : memref<100000x128xf32, #tpu.memory_space<hbm>> -> memref<100000x128xf32, #tpu.memory_space<hbm>>
    tpu.wait_indirect_dma semaphore(%arg12 : memref<!tpu.dma_semaphore, #tpu.memory_space<semaphore_mem>>) src(%dma_wait3A_74 : memref<100000x128xf32, #tpu.memory_space<hbm>>) dst(%arg7 : memref<128x128xf32, #tpu.memory_space<vmem>>)
    %get3A_75 = arith.constant 0 : i32
    %get3A_76 = arith.index_cast %get3A_75 : i32 to index
    %get3A_77 = arith.constant 0 : index
    %get3A_78 = tpu.vector_load %arg7[%get3A_76, %get3A_77] {strides = array<i32>} : memref<128x128xf32, #tpu.memory_space<vmem>>, vector<16xf32>,
    %swap3A_79 = arith.constant 192 : index
    %swap3A_80 = tpu.vector_load %arg11[%swap3A_79] {strides = array<i32>} : memref<512xf32, #tpu.memory_space<vmem>>, vector<16xf32>,
    tpu.vector_store %arg11[%swap3A_79], %get3A_78 {strides = array<i32>} : memref<512xf32, #tpu.memory_space<vmem>>, vector<16xf32>,
    %dma_start3A_81 = arith.constant 768 : i32
    %dma_start3A_82 = tpu.memref_slice %arg6[%dma_start3A_81] : memref<1024xi32, #tpu.memory_space<vmem>> -> memref<128xi32, #tpu.memory_space<vmem>>
    %dma_start3A_83 = arith.constant 0 : i32
    %dma_start3A_84 = arith.constant 0 : i32
    %dma_start3A_85 = tpu.memref_slice %arg3[%dma_start3A_83, %dma_start3A_84] : memref<100000x128xf32, #tpu.memory_space<hbm>> -> memref<100000x128xf32, #tpu.memory_space<hbm>>
    tpu.enqueue_indirect_dma source(%dma_start3A_85 : memref<100000x128xf32, #tpu.memory_space<hbm>>) target(%arg7 : memref<128x128xf32, #tpu.memory_space<vmem>>) offsets(%dma_start3A_82 : memref<128xi32, #tpu.memory_space<vmem>>) semaphore(%arg12 : memref<!tpu.dma_semaphore, #tpu.memory_space<semaphore_mem>>)
    %dma_wait3A_86 = arith.constant 512 : i32
    %dma_wait3A_87 = tpu.memref_slice %arg6[%dma_wait3A_86] : memref<1024xi32, #tpu.memory_space<vmem>> -> memref<128xi32, #tpu.memory_space<vmem>>
    %dma_wait3A_88 = arith.constant 0 : i32
    %dma_wait3A_89 = arith.constant 0 : i32
    %dma_wait3A_90 = tpu.memref_slice %arg3[%dma_wait3A_88, %dma_wait3A_89] : memref<100000x128xf32, #tpu.memory_space<hbm>> -> memref<100000x128xf32, #tpu.memory_space<hbm>>
    tpu.wait_indirect_dma semaphore(%arg13 : memref<!tpu.dma_semaphore, #tpu.memory_space<semaphore_mem>>) src(%dma_wait3A_90 : memref<100000x128xf32, #tpu.memory_space<hbm>>) dst(%arg8 : memref<128x128xf32, #tpu.memory_space<vmem>>)
    %get3A_91 = arith.constant 0 : i32
    %get3A_92 = arith.index_cast %get3A_91 : i32 to index
    %get3A_93 = arith.constant 0 : index
    %get3A_94 = tpu.vector_load %arg8[%get3A_92, %get3A_93] {strides = array<i32>} : memref<128x128xf32, #tpu.memory_space<vmem>>, vector<16xf32>,
    %swap3A_95 = arith.constant 256 : index
    %swap3A_96 = tpu.vector_load %arg11[%swap3A_95] {strides = array<i32>} : memref<512xf32, #tpu.memory_space<vmem>>, vector<16xf32>,
    tpu.vector_store %arg11[%swap3A_95], %get3A_94 {strides = array<i32>} : memref<512xf32, #tpu.memory_space<vmem>>, vector<16xf32>,
    %dma_start3A_97 = arith.constant 896 : i32
    %dma_start3A_98 = tpu.memref_slice %arg6[%dma_start3A_97] : memref<1024xi32, #tpu.memory_space<vmem>> -> memref<128xi32, #tpu.memory_space<vmem>>
    %dma_start3A_99 = arith.constant 0 : i32
    %dma_start3A_100 = arith.constant 0 : i32
    %dma_start3A_101 = tpu.memref_slice %arg3[%dma_start3A_99, %dma_start3A_100] : memref<100000x128xf32, #tpu.memory_space<hbm>> -> memref<100000x128xf32, #tpu.memory_space<hbm>>
    tpu.enqueue_indirect_dma source(%dma_start3A_101 : memref<100000x128xf32, #tpu.memory_space<hbm>>) target(%arg8 : memref<128x128xf32, #tpu.memory_space<vmem>>) offsets(%dma_start3A_98 : memref<128xi32, #tpu.memory_space<vmem>>) semaphore(%arg13 : memref<!tpu.dma_semaphore, #tpu.memory_space<semaphore_mem>>)
    %dma_wait3A_102 = arith.constant 640 : i32
    %dma_wait3A_103 = tpu.memref_slice %arg6[%dma_wait3A_102] : memref<1024xi32, #tpu.memory_space<vmem>> -> memref<128xi32, #tpu.memory_space<vmem>>
    %dma_wait3A_104 = arith.constant 0 : i32
    %dma_wait3A_105 = arith.constant 0 : i32
    %dma_wait3A_106 = tpu.memref_slice %arg3[%dma_wait3A_104, %dma_wait3A_105] : memref<100000x128xf32, #tpu.memory_space<hbm>> -> memref<100000x128xf32, #tpu.memory_space<hbm>>
    tpu.wait_indirect_dma semaphore(%arg14 : memref<!tpu.dma_semaphore, #tpu.memory_space<semaphore_mem>>) src(%dma_wait3A_106 : memref<100000x128xf32, #tpu.memory_space<hbm>>) dst(%arg9 : memref<128x128xf32, #tpu.memory_space<vmem>>)
    %get3A_107 = arith.constant 0 : i32
    %get3A_108 = arith.index_cast %get3A_107 : i32 to index
    %get3A_109 = arith.constant 0 : index
    %get3A_110 = tpu.vector_load %arg9[%get3A_108, %get3A_109] {strides = array<i32>} : memref<128x128xf32, #tpu.memory_space<vmem>>, vector<16xf32>,
    %swap3A_111 = arith.constant 320 : index
    %swap3A_112 = tpu.vector_load %arg11[%swap3A_111] {strides = array<i32>} : memref<512xf32, #tpu.memory_space<vmem>>, vector<16xf32>,
    tpu.vector_store %arg11[%swap3A_111], %get3A_110 {strides = array<i32>} : memref<512xf32, #tpu.memory_space<vmem>>, vector<16xf32>,
    %dma_wait3A_113 = arith.constant 768 : i32
    %dma_wait3A_114 = tpu.memref_slice %arg6[%dma_wait3A_113] : memref<1024xi32, #tpu.memory_space<vmem>> -> memref<128xi32, #tpu.memory_space<vmem>>
    %dma_wait3A_115 = arith.constant 0 : i32
    %dma_wait3A_116 = arith.constant 0 : i32
    %dma_wait3A_117 = tpu.memref_slice %arg3[%dma_wait3A_115, %dma_wait3A_116] : memref<100000x128xf32, #tpu.memory_space<hbm>> -> memref<100000x128xf32, #tpu.memory_space<hbm>>
    tpu.wait_indirect_dma semaphore(%arg12 : memref<!tpu.dma_semaphore, #tpu.memory_space<semaphore_mem>>) src(%dma_wait3A_117 : memref<100000x128xf32, #tpu.memory_space<hbm>>) dst(%arg7 : memref<128x128xf32, #tpu.memory_space<vmem>>)
    %get3A_118 = arith.constant 0 : i32
    %get3A_119 = arith.index_cast %get3A_118 : i32 to index
    %get3A_120 = arith.constant 0 : index
    %get3A_121 = tpu.vector_load %arg7[%get3A_119, %get3A_120] {strides = array<i32>} : memref<128x128xf32, #tpu.memory_space<vmem>>, vector<16xf32>,
    %swap3A_122 = arith.constant 384 : index
    %swap3A_123 = tpu.vector_load %arg11[%swap3A_122] {strides = array<i32>} : memref<512xf32, #tpu.memory_space<vmem>>, vector<16xf32>,
    tpu.vector_store %arg11[%swap3A_122], %get3A_121 {strides = array<i32>} : memref<512xf32, #tpu.memory_space<vmem>>, vector<16xf32>,
    %dma_wait3A_124 = arith.constant 896 : i32
    %dma_wait3A_125 = tpu.memref_slice %arg6[%dma_wait3A_124] : memref<1024xi32, #tpu.memory_space<vmem>> -> memref<128xi32, #tpu.memory_space<vmem>>
    %dma_wait3A_126 = arith.constant 0 : i32
    %dma_wait3A_127 = arith.constant 0 : i32
    %dma_wait3A_128 = tpu.memref_slice %arg3[%dma_wait3A_126, %dma_wait3A_127] : memref<100000x128xf32, #tpu.memory_space<hbm>> -> memref<100000x128xf32, #tpu.memory_space<hbm>>
    tpu.wait_indirect_dma semaphore(%arg13 : memref<!tpu.dma_semaphore, #tpu.memory_space<semaphore_mem>>) src(%dma_wait3A_128 : memref<100000x128xf32, #tpu.memory_space<hbm>>) dst(%arg8 : memref<128x128xf32, #tpu.memory_space<vmem>>)
    %get3A_129 = arith.constant 0 : i32
    %get3A_130 = arith.index_cast %get3A_129 : i32 to index
    %get3A_131 = arith.constant 0 : index
    %get3A_132 = tpu.vector_load %arg8[%get3A_130, %get3A_131] {strides = array<i32>} : memref<128x128xf32, #tpu.memory_space<vmem>>, vector<16xf32>,
    %swap3A_133 = arith.constant 448 : index
    %swap3A_134 = tpu.vector_load %arg11[%swap3A_133] {strides = array<i32>} : memref<512xf32, #tpu.memory_space<vmem>>, vector<16xf32>,
    tpu.vector_store %arg11[%swap3A_133], %get3A_132 {strides = array<i32>} : memref<512xf32, #tpu.memory_space<vmem>>, vector<16xf32>,
    %mul3A_135 = arith.constant 512 : i32
    %mul3A_136 = arith.muli %add3A, %mul3A_135 : i32
    "tpu.region"() ({
      %run_scoped3A = tpu.sem_alloc : memref<!tpu.dma_semaphore, #tpu.memory_space<semaphore_mem>>
      %dma_start3A_137 = tpu.memref_slice %arg4[%mul3A_136] : memref<16384xf32, #tpu.memory_space<hbm>> -> memref<512xf32, #tpu.memory_space<hbm>>
      %dma_start3A_138 = tpu.memref_slice %arg4[%mul3A_136] : memref<16384xf32, #tpu.memory_space<hbm>> -> memref<512xf32, #tpu.memory_space<hbm>>
      tpu.enqueue_dma source(%arg11 : memref<512xf32, #tpu.memory_space<vmem>>) target(%dma_start3A_138 : memref<512xf32, #tpu.memory_space<hbm>>) target_semaphore(%run_scoped3A : memref<!tpu.dma_semaphore, #tpu.memory_space<semaphore_mem>>)
      %dma_wait3A_139 = tpu.memref_slice %arg4[%mul3A_136] : memref<16384xf32, #tpu.memory_space<hbm>> -> memref<512xf32, #tpu.memory_space<hbm>>
      %dma_wait3A_140 = tpu.memref_slice %arg4[%mul3A_136] : memref<16384xf32, #tpu.memory_space<hbm>> -> memref<512xf32, #tpu.memory_space<hbm>>
      tpu.wait_dma2 semaphore(%run_scoped3A : memref<!tpu.dma_semaphore, #tpu.memory_space<semaphore_mem>>) src(%arg11 : memref<512xf32, #tpu.memory_space<vmem>>) dst(%dma_wait3A_140 : memref<512xf32, #tpu.memory_space<hbm>>)
      tpu.yield
    }) : () -> ()
    return
  }
}

</mosaic_0001>

<sc_bundles>
// kernel: kernel.3.cloned.1.call-start
scs
__scs_entry_jumppad:
0x0: {  	(pc) =	sbr.rel $0x88, $3  }
0x1: {  	(tag) =	ssettag $0x0;
	lr =	simm.s32 $0x1  }
0x2: {  	[smem:$0x3F9F] =	sst lr;
	_ =	strace $0xD0000000  }
0x3: {  	_ = 	snop  }
0x4: {  	_ = 	snop  }
0x5: {  	_ = 	snop  }
0x6: {  	_ = 	snop  }
0x7: {  	_ = 	snop  }
__scs_overlays_trampoline_lowered:
0x8: {  	[smem:$0x3FAE] =	sst s0  }
0x9: {  	[smem:$0x3FAF] =	sst s1  }
0xa: {  	[smem:$0x3FB0] =	sst s2  }
0xb: {  	[smem:$0x3FB1] =	sst s3  }
0xc: {  	[smem:$0x3FB2] =	sst s4  }
0xd: {  	[smem:$0x3FB3] =	sst s5  }
0xe: {  	[smem:$0x3FB4] =	sst s6  }
0xf: {  	[smem:$0x3FB5] =	sst s7  }
0x10: {  	[smem:$0x3FB6] =	sst s8  }
0x11: {  	[smem:$0x3FB7] =	sst s9;
	s0 =	simm.s32 @!p0 $0x0  }
0x12: {  	s1 =	sld [smem:$0x3F9D];
	s0 =	simm.s32 @p0 $0x1  }
0x13: {  	[smem:$0x3FB8] =	sst s0;
	s0 =	simm.s32 @!p1 $0x0  }
0x14: {  	s2 =	sld [smem:$0x3F9C];
	s0 =	simm.s32 @p1 $0x1  }
0x15: {  	[smem:$0x3FB9] =	sst s0;
	s0 =	simm.s32 @!p2 $0x0  }
0x16: {  	s3 =	sld [smem:$0x3FDB];
	s0 =	simm.s32 @p2 $0x1  }
0x17: {  	s4 =	simm.s32 $0x1BF5;
	[smem:$0x3FBB] =	sst s0  }
0x18: {  	s0 =	sld [smem:$0x3F9E];
	_ =	swait.ge [sflag:s4], $0x0  }
0x19: {  	s7 =	sld [smem:$0x3F9F]  }
0x1a: {  	s8 =	sadd.s32 $0xFFFFE003, lr  }
0x1b: {  	s9 =	sadd.s32 $0xFFFFFEF7, lr;
	s5 =	simm.s32 $0xFFFFFFFF;
	p2 =	slt.u32 s8, $0xFFFFF086  }
0x1c: {  	p1 =	slt.u32 s9, $0xF7A;
	s5 =	simm.s32 @!p2 $0x0  }
0x1d: {  	s5 =	simm.s32 @p1 $0x1;
	p0 =	seq.s32 s7, s2  }
0x1e: {  	s7 =	smul.u32 @!p0 $0xF7A, s2;
	p2 =	seq.s32 @!p0 s5, $0x0  }
0x1f: {  	s9 =	smul.u32 $0xF7A, s1;
	s8 =	simm.s32 @!p0 $0x1BF5;
	p2 =	por !p2, p0  }
0x20: {  	[sflag:s8] =	ssyncset.s32 @!p0 $0xFFFFF086;
	s6 =	sadd.s32 @!p0 s3, s7;
	s7 =	simm.s32 @!p0 $0x108  }
0x21: {  	s3 =	sadd.s32 s3, s9;
	s6 =	sadd.s32 @!p0 $0x88, s6;
	s7 =	simm.s32 @p2 $0x1082  }
0x22: {  	[simem:s7], [sflag:s8] =	dma.local @!p0 [hbm:s6], $0xF7A  }
0x23: {  	s9 =	sor.u32 $0xD0000000, s2;
	s6 =	simm.s32 $0x108;
	_ =	swait.ge @!p0 [sflag:s8], $0x0  }
0x24: {  	s3 =	sadd.s32 $0x88, s3;
	s6 =	simm.s32 @!p1 $0x1082;
	[sflag:s4] =	ssyncset.s32 $0xFFFFF086  }
0x25: {  	[simem:s6], [sflag:s4] =	dma.local [hbm:s3], $0xF7A  }
0x26: {  	[smem:$0x3F9F] =	sst s1;
	(tag) =	ssettag s2;
	_ =	strace s9  }
0x27: {  	s1 =	sld [smem:$0x3FAF]  }
0x28: {  	s2 =	sld [smem:$0x3FB0]  }
0x29: {  	s4 =	sld [smem:$0x3FB2]  }
0x2a: {  	p0 =	seq.s32 s5, $0x0;
	s5 =	sld [smem:$0x3FB3]  }
0x2b: {  	s6 =	sld [smem:$0x3FB4]  }
0x2c: {  	s7 =	sld [smem:$0x3FB5]  }
0x2d: {  	s3 =	simm.s32 $0x108;
	s8 =	sld [smem:$0x3FB6]  }
0x2e: {  	s3 =	simm.s32 @!p0 $0x1082;
	s9 =	sld [smem:$0x3FB7]  }
0x2f: {  	lr =	sadd.s32 s0, s3;
	s0 =	sld [smem:$0x3FAE]  }
0x30: {  	s3 =	sld [smem:$0x3FB1]  }
0x31: {  	[smem:$0x3FBA] =	sst s10  }
0x32: {  	s10 =	sld [smem:$0x3FB8];
	_ =	sdelay $0x3  }
0x33: {  	p0 =	seq.s32 s10, $0x1;
	s10 =	sld [smem:$0x3FBA];
	_ =	sdelay $0x3  }
0x34: {  	[smem:$0x3FBA] =	sst s10  }
0x35: {  	s10 =	sld [smem:$0x3FB9];
	_ =	sdelay $0x3  }
0x36: {  	p1 =	seq.s32 s10, $0x1;
	s10 =	sld [smem:$0x3FBA];
	_ =	sdelay $0x3  }
0x37: {  	[smem:$0x3FBA] =	sst s10  }
0x38: {  	s10 =	sld [smem:$0x3FBB]  }
0x39: {  	_ = 	snop;
	(pc) =	sbr.ind lr, $3  }
0x3a: {  	_ = 	snop  }
0x3b: {  	_ = 	snop  }
0x3c: {  	p2 =	seq.s32 s10, $0x1;
	s10 =	sld [smem:$0x3FBA]  }
0x3d: {  	_ =	shalt  }
0x3e: {  	_ =	shalt  }
0x3f: {  	_ =	shalt  }
0x40: {  	_ =	shalt  }
0x41: {  	_ =	shalt  }
0x42: {  	_ =	shalt  }
0x43: {  	_ =	shalt  }
0x44: {  	_ =	shalt  }
0x45: {  	_ =	shalt  }
0x46: {  	_ =	shalt  }
0x47: {  	_ =	shalt  }
0x48: {  	_ =	shalt  }
0x49: {  	_ =	shalt  }
0x4a: {  	_ =	shalt  }
0x4b: {  	_ =	shalt  }
0x4c: {  	_ =	shalt  }
0x4d: {  	_ =	shalt  }
0x4e: {  	_ =	shalt  }
0x4f: {  	_ =	shalt  }
0x50: {  	_ =	shalt  }
0x51: {  	_ =	shalt  }
0x52: {  	_ =	shalt  }
0x53: {  	_ =	shalt  }
0x54: {  	_ =	shalt  }
0x55: {  	_ =	shalt  }
0x56: {  	_ =	shalt  }
0x57: {  	_ =	shalt  }
0x58: {  	_ =	shalt  }
0x59: {  	_ =	shalt  }
0x5a: {  	_ =	shalt  }
0x5b: {  	_ =	shalt  }
0x5c: {  	_ =	shalt  }
0x5d: {  	_ =	shalt  }
0x5e: {  	_ =	shalt  }
0x5f: {  	_ =	shalt  }
0x60: {  	_ =	shalt  }
0x61: {  	_ =	shalt  }
0x62: {  	_ =	shalt  }
0x63: {  	_ =	shalt  }
0x64: {  	_ =	shalt  }
0x65: {  	_ =	shalt  }
0x66: {  	_ =	shalt  }
0x67: {  	_ =	shalt  }
0x68: {  	_ =	shalt  }
0x69: {  	_ =	shalt  }
0x6a: {  	_ =	shalt  }
0x6b: {  	_ =	shalt  }
0x6c: {  	_ =	shalt  }
0x6d: {  	_ =	shalt  }
0x6e: {  	_ =	shalt  }
0x6f: {  	_ =	shalt  }
0x70: {  	_ =	shalt  }
0x71: {  	_ =	shalt  }
0x72: {  	_ =	shalt  }
0x73: {  	_ =	shalt  }
0x74: {  	_ =	shalt  }
0x75: {  	_ =	shalt  }
0x76: {  	_ =	shalt  }
0x77: {  	_ =	shalt  }
0x78: {  	_ =	shalt  }
0x79: {  	_ =	shalt  }
0x7a: {  	_ =	shalt  }
0x7b: {  	_ =	shalt  }
0x7c: {  	_ =	shalt  }
0x7d: {  	_ =	shalt  }
0x7e: {  	_ =	shalt  }
0x7f: {  	_ =	shalt  }
0x80: {  	_ =	shalt  }
0x81: {  	_ =	shalt  }
0x82: {  	_ =	shalt  }
0x83: {  	_ =	shalt  }
0x84: {  	_ =	shalt  }
0x85: {  	_ =	shalt  }
0x86: {  	_ =	shalt  }
0x87: {  	_ =	shalt  }
.Lfunc_end0:
.L_simem_size_0:
called_computation_lowered:
.L_overlay_start_0:
0x88: {  	s2 =	sld [smem:$0x3FD9]  }
0x89: {  	s3 =	sld [smem:$0x3FFE];
	_ =	sdelay $0x1  }
0x8a: {  	s1 =	srdreg.scid  }
0x8b: {  	s0 =	sand.u32 $0x1, s1  }
0x8c: {  	s17 =	sshll.u32 s0, $0xA;
	s2 =	sadd.s32 s3, s2  }
0x8d: {  	s2 =	sadd.s32 s2, s17  }
0x8e: {  	[smem:$0x3FC6] =	sst s2  }
0x8f: {  	_ = 	snop  }
0x90: {  	s2 =	sld [smem:$0x3FC8]  }
0x91: {  	s18 =	sld [smem:$0x3FD0];
	(tm) =	ssettm $0x1  }
0x92: {  	s4 =	sld [smem:$0x3FFB];
	_ =	sdelay $0x3  }
0x93: {  	_ =	strace s4  }
0x94: {  	s4 =	sld [smem:$0x3FFC];
	_ =	sdelay $0x3  }
0x95: {  	_ =	strace s4  }
0x96: {  	s4 =	sld [smem:$0x3FFD];
	_ =	sdelay $0x3  }
0x97: {  	_ =	strace s4  }
0x98: {  	_ =	strace $0x8FFFFFFF  }
0x99: {  	s19 =	sld [smem:$0x3FDB];
	_ =	sdelay $0x1  }
0x9a: {  	s5 =	simm.s32 $_scs_section_size  }
0x9b: {  	s6 =	simm.s32 $_size__tile_overlayer_lowered;
	s7 =	simm.s32 $_tile_overlayer_lowered  }
0x9c: {  	s22 =	simm.s32 $0x1BFF;
	s21 =	sshll.u32 s7, $0x1;
	s4 =	sadd.s32 s5, s19  }
0x9d: {  	s8 =	simm.s32 $0x0;
	s20 =	sshll.u32 s6, $0x1;
	s6 =	sadd.s32 s21, s4  }
0x9e: {  	[timem:s8], [sflag:s22] =	dma.local [hbm:s6], s20  }
0x9f: {  	_ =	swait.ge [sflag:s22], s20  }
0xa0: {  	s5 =	ssub.s32 $0x0, s20;
	[sflag:s22] =	ssyncset.done $0x0  }
0xa1: {  	[sflag:s22] =	ssyncadd.s32 s5;
	_ =	sdelay $0x1  }
0xa2: {  	s23 =	simm.s32 $0x1B8B  }
0xa3: {  	_ =	swait.ge [sflag:s23], $0x1  }
0xa4: {  	[sflag:s23] =	ssyncset.done $0x0  }
0xa5: {  	s25 =	simm.s32 $0x1B8E;
	s24 =	sld [smem:$0x3FFE];
	[sflag:s23] =	ssyncadd.s32 $0xFFFFFFFF  }
0xa6: {  	s26 =	simm.s32 $execute0_lowered;
	[smem:$0x3FD2] =	sst s25  }
0xa7: {  	s6 =	sshll.u32 s26, $0x1;
	_ =	strace $0x80000046;
	[dreg:$0x1] =	wrdreg $0xFFFFFFFF  }
0xa8: {  	s28 =	simm.s32 $_size_execute0_lowered;
	s4 =	sadd.s32 s4, s6;
	[dreg:$0x0] =	wrdreg $0x0  }
0xa9: {  	s6 =	sshll.u32 s28, $0x1;
	[dreg:$0x2] =	wrdreg s4  }
0xaa: {  	[dreg:$0x3] =	wrdreg s6  }
0xab: {  	[dreg:$0x4] =	wrdreg $0xC0  }
0xac: {  	_ =	task [dreg:s8], $0x5FFFF  }
0xad: {  	[dreg:$0x1] =	wrdreg $0xFFFFFFFF  }
0xae: {  	[dreg:$0x0] =	wrdreg $0x60  }
0xaf: {  	[dreg:$0x2] =	wrdreg s24  }
0xb0: {  	[dreg:$0x3] =	wrdreg s2  }
0xb1: {  	[dreg:$0x4] =	wrdreg s18  }
0xb2: {  	[dreg:$0x5] =	wrdreg $0x9  }
0xb3: {  	_ =	task.clear_ibuf [dreg:s8], $0x6FFFF;
	_ =	strace $0x90000046  }
0xb4: {  	s29 =	simm.s32 $0x9;
	_ =	strace $0x80000048  }
0xb5: {  	_ =	swait.ge [sflag:s29], $0x1  }
0xb6: {  	[sflag:s29] =	ssyncadd.s32 $0xFFFFFFFF  }
0xb7: {  	_ =	strace $0x90000048  }
0xb8: {  	_ =	sfence  }
0xb9: {  	s30 =	sld [smem:$0x0];
	_ =	sdelay $0x2  }
0xba: {  	s31 =	sshll.u32 s1, $0xD;
	s1 =	sshrl.u32 s1, $0x2  }
0xbb: {  	s3 =	sand.u32 $0x4000, s31;
	s1 =	sadd.s32 s1, s30  }
0xbc: {  	s0 =	sor.u32 s3, s0;
	s1 =	sshll.u32 s1, $0x11  }
0xbd: {  	s0 =	sor.u32 s1, s0  }
0xbe: {  	s0 =	sadd.s32 $0x8F2B, s0  }
0xbf: {  	[sflag:s0] =	ssyncadd.remote.s32 $0x1  }
0xc0: {  	_ =	sfence.sel $0xFFFF  }
0xc1: {  	[dreg:$0x0] =	wrdreg $0xFFFFFFFF;
	(pc) =	sbr.abs _section_cstart, $3  }
0xc2: {  	[dreg:$0x1] =	wrdreg $0xFFFFFFFF  }
0xc3: {  	_ =	task.clear_ibuf [dreg:s8], $0x2FFFF;
	_ =	strace $0x9FFFFFFF  }
0xc4: {  	(tm) =	ssettm $0x7FFFFFFF  }
0xc5: {  	_ =	shalt  }
tec
execute0_lowered:
.L_overlay_start_1:
0x0: {  	(tag) =	ssettag $0x1  }
0x1: {  	s4 =	rddreg [dreg:$0x0]  }
0x2: {  	s2 =	rddreg [dreg:$0x1]  }
0x3: {  	s5 =	rddreg [dreg:$0x2];
	s3 =	srdreg.scid  }
0x4: {  	s0 =	rddreg [dreg:$0x3];
	s1 =	stileid.u32;
	s10 =	simm.s32 $0x10400  }
0x5: {  	s11 =	simm.s32 $0x10080;
	s12 =	simm.s32 $0x14400;
	s13 =	simm.s32 $0x10100  }
0x6: {  	s14 =	simm.s32 $0x18400;
	s15 =	simm.s32 $0x1;
	s16 =	simm.s32 $0x10180  }
0x7: {  	s17 =	simm.s32 $0x2;
	s18 =	simm.s32 $0x10200;
	s19 =	simm.s32 $0x3  }
0x8: {  	s20 =	simm.s32 $0x10280;
	s21 =	simm.s32 $0x10300;
	s22 =	simm.s32 $0x10380  }
0x9: {  	s23 =	simm.s32 $0x1C400;
	s24 =	simm.s32 $0x0;
	s6 =	sand.u32 $0x1, s3  }
0xa: {  	s3 =	simm.s32 $0x0;
	s7 =	sshll.u32 s1, $0xA;
	s8 =	sshll.u32 s6, $0x9  }
0xb: {  	[smem:$0x7FF] =	sst s3;
	s6 =	ssub.s32 $0x2, s6;
	s7 =	sor.u32 s8, s7  }
0xc: {  	_ =	strace $0x80000047;
	s9 =	sshrl.u32 s6, $0x1;
	s8 =	sshll.u32 s7, $0x4  }
0xd: {  	s6 =	ssub.s32 s6, s9;
	s7 =	sshrl.u32 s7, $0x3;
	s9 =	simm.s32 $0x10000  }
0xe: {  	v1 =	vlaneseq.u32;
	s4 =	sadd.s32 s8, s4;
	s5 =	sadd.s32 s5, s7;
	s6 =	smax.u32 s6, $0x1  }
0xf: {  	v0 =	vmul.u32 $0x40, v1;
	v1 =	vand.u32 $0x1, v1;
	s7 =	simm.s32 $0x4;
	s8 =	simm.s32 $0x80;
	s4 =	sadd.s32 $0x400, s4  }
.LBB2_1:
0x10: {  	v2 =	vmov s3  }
0x11: {  	v2 =	vshll.u32 v2, $0x6  }
0x12: {  	v2 =	vor.u32 v0, v2  }
0x13: {  	v2 =	vand.u32 $0xF380, v2  }
0x14: {  	[tilespmem:s3], [sflag:$0x4] =	stream.linear.gather [hbm4b:s4+s3], $0x10000, $0x38;
	v2 =	vor.u32 v1, v2;
	[tilespmem:$0x1C600] =	vst v63  }
0x15: {  	s25 =	simm.s32 $0x10  }
0x16: {  	_ =	swait.ge [sflag:s7], $0x10000;
	v3 =	vmov s25  }
0x17: {  	[sflag:s7] =	ssyncset.done $0x0;
	v3 =	vshll.u32 v3, $0x6  }
0x18: {  	[sflag:s7] =	ssyncadd.s32 $0xFFFF0000;
	v3 =	vor.u32 v0, v3  }
0x19: {  	v3 =	vand.u32 $0x7FFFF780, v3;
	v2 =	vld.idx.msk [tilespmem:v2+s3+$0x0], $0xffff  }
0x1a: {  	v3 =	vor.u32 v1, v3  }
0x1b: {  	s31 =	simm.s32 $0x20  }
0x1c: {  	v4 =	vmov s31  }
0x1d: {  	s25 =	simm.s32 $0x10020;
	v4 =	vshll.u32 v4, $0x6  }
0x1e: {  	[tilespmem:s25+$0xFFFFFFE0] =	vst v2;
	v2 =	vor.u32 v0, v4  }
0x1f: {  	v3 =	vld.idx.msk [tilespmem:v3+s3+$0x0], $0xffff;
	v2 =	vand.u32 $0x7FFFFB80, v2  }
0x20: {  	v2 =	vor.u32 v1, v2  }
0x21: {  	s26 =	simm.s32 $0x30  }
0x22: {  	v4 =	vmov s26  }
0x23: {  	v4 =	vshll.u32 v4, $0x6  }
0x24: {  	v4 =	vor.u32 v0, v4;
	[tilespmem:s25+$0xFFFFFFF0] =	vst v3  }
0x25: {  	v3 =	vand.u32 $0x7FFFFF80, v4;
	v2 =	vld.idx.msk [tilespmem:v2+s3+$0x0], $0xffff  }
0x26: {  	v3 =	vor.u32 v1, v3;
	_ =	sdelay $0x1  }
0x27: {  	s26 =	simm.s32 $0x40  }
0x28: {  	s28 =	simm.s32 $0x80;
	v4 =	vmov s26  }
.LBB2_2:
0x29: {  	p0 =	sne.s32 s28, $0x3C0;
	v4 =	vshll.u32 v4, $0x6;
	[tilespmem:s25+$0x0] =	vst v2  }
0x2a: {  	v2 =	vor.u32 v0, v4;
	v3 =	vld.idx.msk [tilespmem:v3+s3+$0x0], $0xffff  }
0x2b: {  	v2 =	vand.u32 $0xF380, v2  }
0x2c: {  	v2 =	vor.u32 v1, v2;
	_ =	sdelay $0x1  }
0x2d: {  	s29 =	sadd.s32 $0x10, s26  }
0x2e: {  	v4 =	vmov s29  }
0x2f: {  	v4 =	vshll.u32 v4, $0x6;
	[tilespmem:s25+$0x10] =	vst v3  }
0x30: {  	v3 =	vor.u32 v0, v4;
	v2 =	vld.idx.msk [tilespmem:v2+s3+$0x0], $0xffff  }
0x31: {  	v3 =	vand.u32 $0x7FFFF780, v3  }
0x32: {  	v3 =	vor.u32 v1, v3;
	_ =	sdelay $0x1  }
0x33: {  	s29 =	sadd.s32 $0x20, s26  }
0x34: {  	v4 =	vmov s29;
	s25 =	sadd.s32 $0x40, s25  }
0x35: {  	[tilespmem:s25+$0xFFFFFFE0] =	vst v2;
	v2 =	vshll.u32 v4, $0x6  }
0x36: {  	v3 =	vld.idx.msk [tilespmem:v3+s3+$0x0], $0xffff;
	v2 =	vor.u32 v0, v2  }
0x37: {  	v2 =	vand.u32 $0x7FFFFB80, v2  }
0x38: {  	v2 =	vor.u32 v1, v2;
	_ =	sdelay $0x1  }
0x39: {  	s29 =	sadd.s32 $0x30, s26;
	s26 =	smov.u32 s28  }
0x3a: {  	v4 =	vmov s29  }
0x3b: {  	[tilespmem:s25+$0xFFFFFFF0] =	vst v3;
	v3 =	vshll.u32 v4, $0x6  }
0x3c: {  	v2 =	vld.idx.msk [tilespmem:v2+s3+$0x0], $0xffff;
	v3 =	vor.u32 v0, v3  }
.Ltmp0:
0x3d: {  	v3 =	vand.u32 $0x7FFFFF80, v3;
	(pc) =	sbr.rel @p0 .LBB2_2-.Ltmp0, $2  }
0x3e: {  	v3 =	vor.u32 v1, v3;
	_ =	sdelay $0x2  }
0x3f: {  	s28 =	sadd.s32 $0x40, s28;
	v4 =	vmov s26  }
0x40: {  	_ =	sdelay $0x1  }
0x41: {  	v4 =	vshll.u32 v4, $0x6  }
0x42: {  	[tilespmem:s25+$0x0] =	vst v2;
	v2 =	vor.u32 v0, v4  }
0x43: {  	v3 =	vld.idx.msk [tilespmem:v3+s3+$0x0], $0xffff;
	v2 =	vand.u32 $0xF380, v2  }
0x44: {  	v2 =	vor.u32 v1, v2  }
0x45: {  	s28 =	sadd.s32 $0x10, s26  }
0x46: {  	v61 =	vmov s28  }
0x47: {  	v4 =	vshll.u32 v61, $0x6  }
0x48: {  	[tilespmem:s25+$0x10] =	vst v3;
	v3 =	vor.u32 v0, v4  }
0x49: {  	v3 =	vand.u32 $0x7FFFF780, v3;
	v2 =	vld.idx.msk [tilespmem:v2+s3+$0x0], $0xffff  }
0x4a: {  	v3 =	vor.u32 v1, v3  }
0x4b: {  	s29 =	sadd.s32 $0x20, s26  }
0x4c: {  	v62 =	vmov s29  }
0x4d: {  	s30 =	sadd.s32 $0x40, s25;
	v4 =	vshll.u32 v62, $0x6  }
0x4e: {  	[tilespmem:s30+$0xFFFFFFE0] =	vst v2;
	v2 =	vor.u32 v0, v4  }
0x4f: {  	v3 =	vld.idx.msk [tilespmem:v3+s3+$0x0], $0xffff;
	v2 =	vand.u32 $0x7FFFFB80, v2  }
0x50: {  	v2 =	vor.u32 v1, v2  }
0x51: {  	s31 =	sadd.s32 $0x30, s26  }
0x52: {  	v63 =	vmov s31  }
0x53: {  	v4 =	vshll.u32 v63, $0x6  }
0x54: {  	[tilespmem:s30+$0xFFFFFFF0] =	vst v3;
	v3 =	vor.u32 v0, v4  }
0x55: {  	v2 =	vld.idx.msk [tilespmem:v2+s3+$0x0], $0xffff;
	v3 =	vand.u32 $0x7FFFFF80, v3  }
0x56: {  	v3 =	vor.u32 v1, v3;
	_ =	sdelay $0x3  }
0x57: {  	[tilespmem:s30+$0x0] =	vst v2  }
0x58: {  	v2 =	vld.idx.msk [tilespmem:v3+s3+$0x0], $0xffff;
	_ =	sdelay $0x4  }
0x59: {  	[tilespmem:s30+$0x10] =	vst v2  }
0x5a: {  	[tilespmem:s10], [sflag:$0x1] =	stream.indirect.gather [hbm4b:s2+s8], $0x80, s9, s8, $0xb8;
	[tilespmem:$0x1C600] =	vst v63  }
0x5b: {  	_ = 	snop  }
0x5c: {  	[tilespmem:s12], [sflag:$0x2] =	stream.indirect.gather [hbm4b:s2+s8], $0x80, s11, s8, $0xb8;
	[tilespmem:$0x1C600] =	vst v63  }
0x5d: {  	_ = 	snop  }
0x5e: {  	[tilespmem:s14], [sflag:$0x3] =	stream.indirect.gather [hbm4b:s2+s8], $0x80, s13, s8, $0xb8;
	[tilespmem:$0x1C600] =	vst v63  }
0x5f: {  	_ =	swait.ge [sflag:s15], $0x4000  }
0x60: {  	[sflag:s15] =	ssyncset.done $0x0  }
0x61: {  	[sflag:s15] =	ssyncadd.s32 $0xFFFFC000  }
0x62: {  	v2 =	vld [tilespmem:$0x10400];
	_ =	sdelay $0x4  }
0x63: {  	[tilespmem:$0x1C400] =	vst v2  }
0x64: {  	[tilespmem:s10], [sflag:$0x1] =	stream.indirect.gather [hbm4b:s2+s8], $0x80, s16, s8, $0xb8;
	[tilespmem:$0x1C600] =	vst v63  }
0x65: {  	_ =	swait.ge [sflag:s17], $0x4000  }
0x66: {  	[sflag:s17] =	ssyncset.done $0x0  }
0x67: {  	[sflag:s17] =	ssyncadd.s32 $0xFFFFC000  }
0x68: {  	v2 =	vld [tilespmem:$0x14400];
	_ =	sdelay $0x4  }
0x69: {  	[tilespmem:$0x1C440] =	vst v2  }
0x6a: {  	[tilespmem:s12], [sflag:$0x2] =	stream.indirect.gather [hbm4b:s2+s8], $0x80, s18, s8, $0xb8;
	[tilespmem:$0x1C600] =	vst v63  }
0x6b: {  	_ =	swait.ge [sflag:s19], $0x4000  }
0x6c: {  	[sflag:s19] =	ssyncset.done $0x0  }
0x6d: {  	[sflag:s19] =	ssyncadd.s32 $0xFFFFC000  }
0x6e: {  	v2 =	vld [tilespmem:$0x18400];
	_ =	sdelay $0x4  }
0x6f: {  	[tilespmem:$0x1C480] =	vst v2  }
0x70: {  	[tilespmem:s14], [sflag:$0x3] =	stream.indirect.gather [hbm4b:s2+s8], $0x80, s20, s8, $0xb8;
	[tilespmem:$0x1C600] =	vst v63  }
0x71: {  	_ =	swait.ge [sflag:s15], $0x4000  }
0x72: {  	[sflag:s15] =	ssyncset.done $0x0  }
0x73: {  	[sflag:s15] =	ssyncadd.s32 $0xFFFFC000  }
0x74: {  	v2 =	vld [tilespmem:$0x10400];
	_ =	sdelay $0x4  }
0x75: {  	[tilespmem:$0x1C4C0] =	vst v2  }
0x76: {  	[tilespmem:s10], [sflag:$0x1] =	stream.indirect.gather [hbm4b:s2+s8], $0x80, s21, s8, $0xb8;
	[tilespmem:$0x1C600] =	vst v63  }
0x77: {  	_ =	swait.ge [sflag:s17], $0x4000  }
0x78: {  	[sflag:s17] =	ssyncset.done $0x0  }
0x79: {  	[sflag:s17] =	ssyncadd.s32 $0xFFFFC000  }
0x7a: {  	v2 =	vld [tilespmem:$0x14400];
	_ =	sdelay $0x4  }
0x7b: {  	[tilespmem:$0x1C500] =	vst v2  }
0x7c: {  	[tilespmem:s12], [sflag:$0x2] =	stream.indirect.gather [hbm4b:s2+s8], $0x80, s22, s8, $0xb8;
	[tilespmem:$0x1C600] =	vst v63  }
0x7d: {  	_ =	swait.ge [sflag:s19], $0x4000  }
0x7e: {  	[sflag:s19] =	ssyncset.done $0x0  }
0x7f: {  	[sflag:s19] =	ssyncadd.s32 $0xFFFFC000  }
0x80: {  	v2 =	vld [tilespmem:$0x18400];
	_ =	sdelay $0x4  }
0x81: {  	[tilespmem:$0x1C540] =	vst v2  }
0x82: {  	_ =	swait.ge [sflag:s15], $0x4000  }
0x83: {  	[sflag:s15] =	ssyncset.done $0x0  }
0x84: {  	[sflag:s15] =	ssyncadd.s32 $0xFFFFC000  }
0x85: {  	v2 =	vld [tilespmem:$0x10400];
	_ =	sdelay $0x4  }
0x86: {  	[tilespmem:$0x1C580] =	vst v2  }
0x87: {  	_ =	swait.ge [sflag:s17], $0x4000  }
0x88: {  	[sflag:s17] =	ssyncset.done $0x0  }
0x89: {  	[sflag:s17] =	ssyncadd.s32 $0xFFFFC000  }
0x8a: {  	v2 =	vld [tilespmem:$0x14400];
	_ =	sdelay $0x2  }
0x8b: {  	s24 =	sadd.s32 $0x1, s24  }
0x8c: {  	p0 =	sne.s32 s24, s6  }
.Ltmp1:
0x8d: {  	[tilespmem:$0x1C5C0] =	vst v2;
	(pc) =	sbr.rel @p0 .LBB2_1-.Ltmp1, $4  }
0x8e: {  	[hbm4b:s5+s3] =	stream.linear.scatter [tilespmem:s23], [sflag:$0x4], $0x200, $0x38;
	[tilespmem:$0x1C600] =	vst v63  }
0x8f: {  	_ =	swait.ge [sflag:s7], $0x200  }
0x90: {  	[sflag:s7] =	ssyncset.done $0x0  }
0x91: {  	[sflag:s7] =	ssyncadd.s32 $0xFFFFFE00  }
0x92: {  	_ =	sfence.sel $0x180000  }
0x93: {  	[bflag:$0x0] =	sbarrier.arrive $0xFFFF  }
0x94: {  	p0 =	sne.s32 s1, $0x0;
	_ =	strace $0x90000047  }
0x95: {  	s0 =	sadd.s32 @!p0 $0x100000, s0;
	[bflag:$0x2] =	sbarrier.arrive $0xFFFF  }
0x96: {  	[sflag:s0] =	ssyncadd.tile.s32 @!p0 $0x1;
	_ =	shalt  }
.Lfunc_end2:
_tile_overlayer_lowered:
.L_overlay_start_2:
0x97: {  	(tag) =	ssettag $0x2  }
0x98: {  	s0 =	rddreg [dreg:$0x0];
	s2 =	stileid.u32  }
0x99: {  	s1 =	rddreg [dreg:$0x1];
	p0 =	sne.s32 s2, $0x0  }
0x9a: {  	s3 =	rddreg [dreg:$0x2];
	[bflag:$0x3] =	sbarrier.arrive $0xFFFF;
	s2 =	simm.s32 @!p0 $0x1C04  }
0x9b: {  	[timem:s3], [sflag:s2] =	dma.local @!p0 [hbm:s0], s1  }
0x9c: {  	s0 =	simm.s32 @!p0 $0x4  }
0x9d: {  	_ =	swait.ge @!p0 [sflag:s0], s1  }
0x9e: {  	s1 =	ssub.s32 @!p0 $0x0, s1;
	[sflag:s0] =	ssyncset.done @!p0 $0x0  }
0x9f: {  	[sflag:s0] =	ssyncadd.s32 @!p0 s1  }
0xa0: {  	[bflag:$0x3] =	sbarrier.arrive $0xFFFF  }
0xa1: {  	_ =	shalt  }

</sc_bundles>
